<compile_context>
chip_gen: v7x
topology: tpu7x:2x2x1
jax: 0.10.2.dev20260603
libtpu: 0.0.44.dev20260713+nightly
codegen_flags: <defaults>
</compile_context>

<pallas_src>
import functools

import jax
import jax.numpy as jnp
from jax.experimental import pallas as pl
from jax.experimental.pallas import tpu as pltpu
from jax.experimental.pallas import tpu_sc as plsc

_ROWS = 6
_D = 64
_L = 16

_mesh = plsc.VectorSubcoreMesh(
    core_axis_name="c", subcore_axis_name="s", num_cores=1, num_subcores=1
)


@functools.partial(
    pl.kernel,
    out_type=jax.ShapeDtypeStruct((3, 2, _D), jnp.float32),
    mesh=_mesh,
    scratch_types=[
        pltpu.VMEM((_ROWS + 2, _D), jnp.float32),
        pltpu.VMEM((3, 2, _D), jnp.float32),
    ],
)
def _shifted_add(x_hbm, out_hbm, xbuf, obuf):
    pltpu.sync_copy(x_hbm, xbuf)
    for r in range(_ROWS):
        for c in range(0, _D, _L):
            obuf[r // 2, r % 2, pl.ds(c, _L)] = (
                xbuf[r, pl.ds(c, _L)] + xbuf[r + 1, pl.ds(c, _L)]
            )
    pltpu.sync_copy(obuf, out_hbm)


def kernel(x):
    head = jax.lax.slice(x, (0, 0), (_ROWS + 2, _D))
    return _shifted_add(head)

# --- scband reference (transcript-rebuilt; emitter-appended) ---
"""Pipeline reference for scband-index-35390530519427 (READ-ONLY COPY).

The authoritative reference and input builder live on the scoring server;
editing this copy changes nothing except your own understanding.
"""

import jax, jax.numpy as jnp
import numpy as np

IDX0 = jnp.array([[0, 1], [2, 3], [4, 5]], dtype=jnp.int64)
IDX1 = jnp.array([[1, 2], [3, 4], [5, 6]], dtype=jnp.int64)


def setup_inputs(seed: int = 0) -> dict:
    key = jax.random.key(seed)
    x = jax.random.normal(key, (1000000, 64), dtype=jnp.float32)
    return {"x": x}


def reference(x):
    # x[idx0] + x[idx1] : advanced integer indexing == row gather
    g0 = jnp.take(x, IDX0, axis=0)
    g1 = jnp.take(x, IDX1, axis=0)
    return g0 + g1

if __name__ == "__main__":
    import jax
    _d = setup_inputs()
    print(jax.jit(kernel)(*tuple(_d.values())))

</pallas_src>

<mosaic_0001>
#map = affine_map<(d0, d1) -> (0, 0)>
#map1 = affine_map<(d0, d1) -> (0, 0, 0)>
module attributes {stable_mosaic.version = 14 : i64} {
  func.func @_shifted_add(%arg0: i32, %arg1: i32, %arg2: memref<8x64xf32, #tpu.memory_space<hbm>>, %arg3: memref<3x2x64xf32, #tpu.memory_space<hbm>>, %arg4: memref<8x64xf32, #tpu.memory_space<vmem>>, %arg5: memref<3x2x64xf32, #tpu.memory_space<vmem>>) attributes {dimension_semantics = [#tpu.dimension_semantics<core_parallel>, #tpu.dimension_semantics<subcore_parallel>], iteration_bounds = array<i64: 1, 1>, scalar_prefetch = 0 : i64, scratch_operands = 2 : i64, tpu.core_type = #tpu.core_type<sc_vector_subcore>, window_params = [{transform_indices = #map}, {transform_indices = #map1}]} {
    "tpu.region"() ({
      %run_scoped3A = tpu.sem_alloc : memref<!tpu.dma_semaphore, #tpu.memory_space<semaphore_mem>>
      tpu.enqueue_dma source(%arg2 : memref<8x64xf32, #tpu.memory_space<hbm>>) target(%arg4 : memref<8x64xf32, #tpu.memory_space<vmem>>) target_semaphore(%run_scoped3A : memref<!tpu.dma_semaphore, #tpu.memory_space<semaphore_mem>>)
      tpu.wait_dma2 semaphore(%run_scoped3A : memref<!tpu.dma_semaphore, #tpu.memory_space<semaphore_mem>>) src(%arg2 : memref<8x64xf32, #tpu.memory_space<hbm>>) dst(%arg4 : memref<8x64xf32, #tpu.memory_space<vmem>>)
      tpu.yield
    }) : () -> ()
    %get3A = arith.constant 0 : i32
    %get3A_0 = arith.index_cast %get3A : i32 to index
    %get3A_1 = arith.constant 0 : index
    %get3A_2 = tpu.vector_load %arg4[%get3A_0, %get3A_1] {strides = array<i32>} : memref<8x64xf32, #tpu.memory_space<vmem>>, vector<1x16xf32>,
    %get3A_3 = vector.shape_cast %get3A_2 : vector<1x16xf32> to vector<16xf32>
    %get3A_4 = arith.constant 1 : i32
    %get3A_5 = arith.index_cast %get3A_4 : i32 to index
    %get3A_6 = arith.constant 0 : index
    %get3A_7 = tpu.vector_load %arg4[%get3A_5, %get3A_6] {strides = array<i32>} : memref<8x64xf32, #tpu.memory_space<vmem>>, vector<1x16xf32>,
    %get3A_8 = vector.shape_cast %get3A_7 : vector<1x16xf32> to vector<16xf32>
    %add3A = arith.addf %get3A_3, %get3A_8 : vector<16xf32>
    %swap3A = arith.constant 0 : i32
    %swap3A_9 = arith.constant 0 : i32
    %swap3A_10 = arith.index_cast %swap3A : i32 to index
    %swap3A_11 = arith.index_cast %swap3A_9 : i32 to index
    %swap3A_12 = arith.constant 0 : index
    %swap3A_13 = tpu.vector_load %arg5[%swap3A_10, %swap3A_11, %swap3A_12] {strides = array<i32>} : memref<3x2x64xf32, #tpu.memory_space<vmem>>, vector<1x1x16xf32>,
    %swap3A_14 = vector.shape_cast %swap3A_13 : vector<1x1x16xf32> to vector<16xf32>
    %swap3A_15 = vector.shape_cast %add3A : vector<16xf32> to vector<1x1x16xf32>
    tpu.vector_store %arg5[%swap3A_10, %swap3A_11, %swap3A_12], %swap3A_15 {strides = array<i32>} : memref<3x2x64xf32, #tpu.memory_space<vmem>>, vector<1x1x16xf32>,
    %get3A_16 = arith.constant 0 : i32
    %get3A_17 = arith.index_cast %get3A_16 : i32 to index
    %get3A_18 = arith.constant 16 : index
    %get3A_19 = tpu.vector_load %arg4[%get3A_17, %get3A_18] {strides = array<i32>} : memref<8x64xf32, #tpu.memory_space<vmem>>, vector<1x16xf32>,
    %get3A_20 = vector.shape_cast %get3A_19 : vector<1x16xf32> to vector<16xf32>
    %get3A_21 = arith.constant 1 : i32
    %get3A_22 = arith.index_cast %get3A_21 : i32 to index
    %get3A_23 = arith.constant 16 : index
    %get3A_24 = tpu.vector_load %arg4[%get3A_22, %get3A_23] {strides = array<i32>} : memref<8x64xf32, #tpu.memory_space<vmem>>, vector<1x16xf32>,
    %get3A_25 = vector.shape_cast %get3A_24 : vector<1x16xf32> to vector<16xf32>
    %add3A_26 = arith.addf %get3A_20, %get3A_25 : vector<16xf32>
    %swap3A_27 = arith.constant 0 : i32
    %swap3A_28 = arith.constant 0 : i32
    %swap3A_29 = arith.index_cast %swap3A_27 : i32 to index
    %swap3A_30 = arith.index_cast %swap3A_28 : i32 to index
    %swap3A_31 = arith.constant 16 : index
    %swap3A_32 = tpu.vector_load %arg5[%swap3A_29, %swap3A_30, %swap3A_31] {strides = array<i32>} : memref<3x2x64xf32, #tpu.memory_space<vmem>>, vector<1x1x16xf32>,
    %swap3A_33 = vector.shape_cast %swap3A_32 : vector<1x1x16xf32> to vector<16xf32>
    %swap3A_34 = vector.shape_cast %add3A_26 : vector<16xf32> to vector<1x1x16xf32>
    tpu.vector_store %arg5[%swap3A_29, %swap3A_30, %swap3A_31], %swap3A_34 {strides = array<i32>} : memref<3x2x64xf32, #tpu.memory_space<vmem>>, vector<1x1x16xf32>,
    %get3A_35 = arith.constant 0 : i32
    %get3A_36 = arith.index_cast %get3A_35 : i32 to index
    %get3A_37 = arith.constant 32 : index
    %get3A_38 = tpu.vector_load %arg4[%get3A_36, %get3A_37] {strides = array<i32>} : memref<8x64xf32, #tpu.memory_space<vmem>>, vector<1x16xf32>,
    %get3A_39 = vector.shape_cast %get3A_38 : vector<1x16xf32> to vector<16xf32>
    %get3A_40 = arith.constant 1 : i32
    %get3A_41 = arith.index_cast %get3A_40 : i32 to index
    %get3A_42 = arith.constant 32 : index
    %get3A_43 = tpu.vector_load %arg4[%get3A_41, %get3A_42] {strides = array<i32>} : memref<8x64xf32, #tpu.memory_space<vmem>>, vector<1x16xf32>,
    %get3A_44 = vector.shape_cast %get3A_43 : vector<1x16xf32> to vector<16xf32>
    %add3A_45 = arith.addf %get3A_39, %get3A_44 : vector<16xf32>
    %swap3A_46 = arith.constant 0 : i32
    %swap3A_47 = arith.constant 0 : i32
    %swap3A_48 = arith.index_cast %swap3A_46 : i32 to index
    %swap3A_49 = arith.index_cast %swap3A_47 : i32 to index
    %swap3A_50 = arith.constant 32 : index
    %swap3A_51 = tpu.vector_load %arg5[%swap3A_48, %swap3A_49, %swap3A_50] {strides = array<i32>} : memref<3x2x64xf32, #tpu.memory_space<vmem>>, vector<1x1x16xf32>,
    %swap3A_52 = vector.shape_cast %swap3A_51 : vector<1x1x16xf32> to vector<16xf32>
    %swap3A_53 = vector.shape_cast %add3A_45 : vector<16xf32> to vector<1x1x16xf32>
    tpu.vector_store %arg5[%swap3A_48, %swap3A_49, %swap3A_50], %swap3A_53 {strides = array<i32>} : memref<3x2x64xf32, #tpu.memory_space<vmem>>, vector<1x1x16xf32>,
    %get3A_54 = arith.constant 0 : i32
    %get3A_55 = arith.index_cast %get3A_54 : i32 to index
    %get3A_56 = arith.constant 48 : index
    %get3A_57 = tpu.vector_load %arg4[%get3A_55, %get3A_56] {strides = array<i32>} : memref<8x64xf32, #tpu.memory_space<vmem>>, vector<1x16xf32>,
    %get3A_58 = vector.shape_cast %get3A_57 : vector<1x16xf32> to vector<16xf32>
    %get3A_59 = arith.constant 1 : i32
    %get3A_60 = arith.index_cast %get3A_59 : i32 to index
    %get3A_61 = arith.constant 48 : index
    %get3A_62 = tpu.vector_load %arg4[%get3A_60, %get3A_61] {strides = array<i32>} : memref<8x64xf32, #tpu.memory_space<vmem>>, vector<1x16xf32>,
    %get3A_63 = vector.shape_cast %get3A_62 : vector<1x16xf32> to vector<16xf32>
    %add3A_64 = arith.addf %get3A_58, %get3A_63 : vector<16xf32>
    %swap3A_65 = arith.constant 0 : i32
    %swap3A_66 = arith.constant 0 : i32
    %swap3A_67 = arith.index_cast %swap3A_65 : i32 to index
    %swap3A_68 = arith.index_cast %swap3A_66 : i32 to index
    %swap3A_69 = arith.constant 48 : index
    %swap3A_70 = tpu.vector_load %arg5[%swap3A_67, %swap3A_68, %swap3A_69] {strides = array<i32>} : memref<3x2x64xf32, #tpu.memory_space<vmem>>, vector<1x1x16xf32>,
    %swap3A_71 = vector.shape_cast %swap3A_70 : vector<1x1x16xf32> to vector<16xf32>
    %swap3A_72 = vector.shape_cast %add3A_64 : vector<16xf32> to vector<1x1x16xf32>
    tpu.vector_store %arg5[%swap3A_67, %swap3A_68, %swap3A_69], %swap3A_72 {strides = array<i32>} : memref<3x2x64xf32, #tpu.memory_space<vmem>>, vector<1x1x16xf32>,
    %get3A_73 = arith.constant 1 : i32
    %get3A_74 = arith.index_cast %get3A_73 : i32 to index
    %get3A_75 = arith.constant 0 : index
    %get3A_76 = tpu.vector_load %arg4[%get3A_74, %get3A_75] {strides = array<i32>} : memref<8x64xf32, #tpu.memory_space<vmem>>, vector<1x16xf32>,
    %get3A_77 = vector.shape_cast %get3A_76 : vector<1x16xf32> to vector<16xf32>
    %get3A_78 = arith.constant 2 : i32
    %get3A_79 = arith.index_cast %get3A_78 : i32 to index
    %get3A_80 = arith.constant 0 : index
    %get3A_81 = tpu.vector_load %arg4[%get3A_79, %get3A_80] {strides = array<i32>} : memref<8x64xf32, #tpu.memory_space<vmem>>, vector<1x16xf32>,
    %get3A_82 = vector.shape_cast %get3A_81 : vector<1x16xf32> to vector<16xf32>
    %add3A_83 = arith.addf %get3A_77, %get3A_82 : vector<16xf32>
    %swap3A_84 = arith.constant 0 : i32
    %swap3A_85 = arith.constant 1 : i32
    %swap3A_86 = arith.index_cast %swap3A_84 : i32 to index
    %swap3A_87 = arith.index_cast %swap3A_85 : i32 to index
    %swap3A_88 = arith.constant 0 : index
    %swap3A_89 = tpu.vector_load %arg5[%swap3A_86, %swap3A_87, %swap3A_88] {strides = array<i32>} : memref<3x2x64xf32, #tpu.memory_space<vmem>>, vector<1x1x16xf32>,
    %swap3A_90 = vector.shape_cast %swap3A_89 : vector<1x1x16xf32> to vector<16xf32>
    %swap3A_91 = vector.shape_cast %add3A_83 : vector<16xf32> to vector<1x1x16xf32>
    tpu.vector_store %arg5[%swap3A_86, %swap3A_87, %swap3A_88], %swap3A_91 {strides = array<i32>} : memref<3x2x64xf32, #tpu.memory_space<vmem>>, vector<1x1x16xf32>,
    %get3A_92 = arith.constant 1 : i32
    %get3A_93 = arith.index_cast %get3A_92 : i32 to index
    %get3A_94 = arith.constant 16 : index
    %get3A_95 = tpu.vector_load %arg4[%get3A_93, %get3A_94] {strides = array<i32>} : memref<8x64xf32, #tpu.memory_space<vmem>>, vector<1x16xf32>,
    %get3A_96 = vector.shape_cast %get3A_95 : vector<1x16xf32> to vector<16xf32>
    %get3A_97 = arith.constant 2 : i32
    %get3A_98 = arith.index_cast %get3A_97 : i32 to index
    %get3A_99 = arith.constant 16 : index
    %get3A_100 = tpu.vector_load %arg4[%get3A_98, %get3A_99] {strides = array<i32>} : memref<8x64xf32, #tpu.memory_space<vmem>>, vector<1x16xf32>,
    %get3A_101 = vector.shape_cast %get3A_100 : vector<1x16xf32> to vector<16xf32>
    %add3A_102 = arith.addf %get3A_96, %get3A_101 : vector<16xf32>
    %swap3A_103 = arith.constant 0 : i32
    %swap3A_104 = arith.constant 1 : i32
    %swap3A_105 = arith.index_cast %swap3A_103 : i32 to index
    %swap3A_106 = arith.index_cast %swap3A_104 : i32 to index
    %swap3A_107 = arith.constant 16 : index
    %swap3A_108 = tpu.vector_load %arg5[%swap3A_105, %swap3A_106, %swap3A_107] {strides = array<i32>} : memref<3x2x64xf32, #tpu.memory_space<vmem>>, vector<1x1x16xf32>,
    %swap3A_109 = vector.shape_cast %swap3A_108 : vector<1x1x16xf32> to vector<16xf32>
    %swap3A_110 = vector.shape_cast %add3A_102 : vector<16xf32> to vector<1x1x16xf32>
    tpu.vector_store %arg5[%swap3A_105, %swap3A_106, %swap3A_107], %swap3A_110 {strides = array<i32>} : memref<3x2x64xf32, #tpu.memory_space<vmem>>, vector<1x1x16xf32>,
    %get3A_111 = arith.constant 1 : i32
    %get3A_112 = arith.index_cast %get3A_111 : i32 to index
    %get3A_113 = arith.constant 32 : index
    %get3A_114 = tpu.vector_load %arg4[%get3A_112, %get3A_113] {strides = array<i32>} : memref<8x64xf32, #tpu.memory_space<vmem>>, vector<1x16xf32>,
    %get3A_115 = vector.shape_cast %get3A_114 : vector<1x16xf32> to vector<16xf32>
    %get3A_116 = arith.constant 2 : i32
    %get3A_117 = arith.index_cast %get3A_116 : i32 to index
    %get3A_118 = arith.constant 32 : index
    %get3A_119 = tpu.vector_load %arg4[%get3A_117, %get3A_118] {strides = array<i32>} : memref<8x64xf32, #tpu.memory_space<vmem>>, vector<1x16xf32>,
    %get3A_120 = vector.shape_cast %get3A_119 : vector<1x16xf32> to vector<16xf32>
    %add3A_121 = arith.addf %get3A_115, %get3A_120 : vector<16xf32>
    %swap3A_122 = arith.constant 0 : i32
    %swap3A_123 = arith.constant 1 : i32
    %swap3A_124 = arith.index_cast %swap3A_122 : i32 to index
    %swap3A_125 = arith.index_cast %swap3A_123 : i32 to index
    %swap3A_126 = arith.constant 32 : index
    %swap3A_127 = tpu.vector_load %arg5[%swap3A_124, %swap3A_125, %swap3A_126] {strides = array<i32>} : memref<3x2x64xf32, #tpu.memory_space<vmem>>, vector<1x1x16xf32>,
    %swap3A_128 = vector.shape_cast %swap3A_127 : vector<1x1x16xf32> to vector<16xf32>
    %swap3A_129 = vector.shape_cast %add3A_121 : vector<16xf32> to vector<1x1x16xf32>
    tpu.vector_store %arg5[%swap3A_124, %swap3A_125, %swap3A_126], %swap3A_129 {strides = array<i32>} : memref<3x2x64xf32, #tpu.memory_space<vmem>>, vector<1x1x16xf32>,
    %get3A_130 = arith.constant 1 : i32
    %get3A_131 = arith.index_cast %get3A_130 : i32 to index
    %get3A_132 = arith.constant 48 : index
    %get3A_133 = tpu.vector_load %arg4[%get3A_131, %get3A_132] {strides = array<i32>} : memref<8x64xf32, #tpu.memory_space<vmem>>, vector<1x16xf32>,
    %get3A_134 = vector.shape_cast %get3A_133 : vector<1x16xf32> to vector<16xf32>
    %get3A_135 = arith.constant 2 : i32
    %get3A_136 = arith.index_cast %get3A_135 : i32 to index
    %get3A_137 = arith.constant 48 : index
    %get3A_138 = tpu.vector_load %arg4[%get3A_136, %get3A_137] {strides = array<i32>} : memref<8x64xf32, #tpu.memory_space<vmem>>, vector<1x16xf32>,
    %get3A_139 = vector.shape_cast %get3A_138 : vector<1x16xf32> to vector<16xf32>
    %add3A_140 = arith.addf %get3A_134, %get3A_139 : vector<16xf32>
    %swap3A_141 = arith.constant 0 : i32
    %swap3A_142 = arith.constant 1 : i32
    %swap3A_143 = arith.index_cast %swap3A_141 : i32 to index
    %swap3A_144 = arith.index_cast %swap3A_142 : i32 to index
    %swap3A_145 = arith.constant 48 : index
    %swap3A_146 = tpu.vector_load %arg5[%swap3A_143, %swap3A_144, %swap3A_145] {strides = array<i32>} : memref<3x2x64xf32, #tpu.memory_space<vmem>>, vector<1x1x16xf32>,
    %swap3A_147 = vector.shape_cast %swap3A_146 : vector<1x1x16xf32> to vector<16xf32>
    %swap3A_148 = vector.shape_cast %add3A_140 : vector<16xf32> to vector<1x1x16xf32>
    tpu.vector_store %arg5[%swap3A_143, %swap3A_144, %swap3A_145], %swap3A_148 {strides = array<i32>} : memref<3x2x64xf32, #tpu.memory_space<vmem>>, vector<1x1x16xf32>,
    %get3A_149 = arith.constant 2 : i32
    %get3A_150 = arith.index_cast %get3A_149 : i32 to index
    %get3A_151 = arith.constant 0 : index
    %get3A_152 = tpu.vector_load %arg4[%get3A_150, %get3A_151] {strides = array<i32>} : memref<8x64xf32, #tpu.memory_space<vmem>>, vector<1x16xf32>,
    %get3A_153 = vector.shape_cast %get3A_152 : vector<1x16xf32> to vector<16xf32>
    %get3A_154 = arith.constant 3 : i32
    %get3A_155 = arith.index_cast %get3A_154 : i32 to index
    %get3A_156 = arith.constant 0 : index
    %get3A_157 = tpu.vector_load %arg4[%get3A_155, %get3A_156] {strides = array<i32>} : memref<8x64xf32, #tpu.memory_space<vmem>>, vector<1x16xf32>,
    %get3A_158 = vector.shape_cast %get3A_157 : vector<1x16xf32> to vector<16xf32>
    %add3A_159 = arith.addf %get3A_153, %get3A_158 : vector<16xf32>
    %swap3A_160 = arith.constant 1 : i32
    %swap3A_161 = arith.constant 0 : i32
    %swap3A_162 = arith.index_cast %swap3A_160 : i32 to index
    %swap3A_163 = arith.index_cast %swap3A_161 : i32 to index
    %swap3A_164 = arith.constant 0 : index
    %swap3A_165 = tpu.vector_load %arg5[%swap3A_162, %swap3A_163, %swap3A_164] {strides = array<i32>} : memref<3x2x64xf32, #tpu.memory_space<vmem>>, vector<1x1x16xf32>,
    %swap3A_166 = vector.shape_cast %swap3A_165 : vector<1x1x16xf32> to vector<16xf32>
    %swap3A_167 = vector.shape_cast %add3A_159 : vector<16xf32> to vector<1x1x16xf32>
    tpu.vector_store %arg5[%swap3A_162, %swap3A_163, %swap3A_164], %swap3A_167 {strides = array<i32>} : memref<3x2x64xf32, #tpu.memory_space<vmem>>, vector<1x1x16xf32>,
    %get3A_168 = arith.constant 2 : i32
    %get3A_169 = arith.index_cast %get3A_168 : i32 to index
    %get3A_170 = arith.constant 16 : index
    %get3A_171 = tpu.vector_load %arg4[%get3A_169, %get3A_170] {strides = array<i32>} : memref<8x64xf32, #tpu.memory_space<vmem>>, vector<1x16xf32>,
    %get3A_172 = vector.shape_cast %get3A_171 : vector<1x16xf32> to vector<16xf32>
    %get3A_173 = arith.constant 3 : i32
    %get3A_174 = arith.index_cast %get3A_173 : i32 to index
    %get3A_175 = arith.constant 16 : index
    %get3A_176 = tpu.vector_load %arg4[%get3A_174, %get3A_175] {strides = array<i32>} : memref<8x64xf32, #tpu.memory_space<vmem>>, vector<1x16xf32>,
    %get3A_177 = vector.shape_cast %get3A_176 : vector<1x16xf32> to vector<16xf32>
    %add3A_178 = arith.addf %get3A_172, %get3A_177 : vector<16xf32>
    %swap3A_179 = arith.constant 1 : i32
    %swap3A_180 = arith.constant 0 : i32
    %swap3A_181 = arith.index_cast %swap3A_179 : i32 to index
    %swap3A_182 = arith.index_cast %swap3A_180 : i32 to index
    %swap3A_183 = arith.constant 16 : index
    %swap3A_184 = tpu.vector_load %arg5[%swap3A_181, %swap3A_182, %swap3A_183] {strides = array<i32>} : memref<3x2x64xf32, #tpu.memory_space<vmem>>, vector<1x1x16xf32>,
    %swap3A_185 = vector.shape_cast %swap3A_184 : vector<1x1x16xf32> to vector<16xf32>
    %swap3A_186 = vector.shape_cast %add3A_178 : vector<16xf32> to vector<1x1x16xf32>
    tpu.vector_store %arg5[%swap3A_181, %swap3A_182, %swap3A_183], %swap3A_186 {strides = array<i32>} : memref<3x2x64xf32, #tpu.memory_space<vmem>>, vector<1x1x16xf32>,
    %get3A_187 = arith.constant 2 : i32
    %get3A_188 = arith.index_cast %get3A_187 : i32 to index
    %get3A_189 = arith.constant 32 : index
    %get3A_190 = tpu.vector_load %arg4[%get3A_188, %get3A_189] {strides = array<i32>} : memref<8x64xf32, #tpu.memory_space<vmem>>, vector<1x16xf32>,
    %get3A_191 = vector.shape_cast %get3A_190 : vector<1x16xf32> to vector<16xf32>
    %get3A_192 = arith.constant 3 : i32
    %get3A_193 = arith.index_cast %get3A_192 : i32 to index
    %get3A_194 = arith.constant 32 : index
    %get3A_195 = tpu.vector_load %arg4[%get3A_193, %get3A_194] {strides = array<i32>} : memref<8x64xf32, #tpu.memory_space<vmem>>, vector<1x16xf32>,
    %get3A_196 = vector.shape_cast %get3A_195 : vector<1x16xf32> to vector<16xf32>
    %add3A_197 = arith.addf %get3A_191, %get3A_196 : vector<16xf32>
    %swap3A_198 = arith.constant 1 : i32
    %swap3A_199 = arith.constant 0 : i32
    %swap3A_200 = arith.index_cast %swap3A_198 : i32 to index
    %swap3A_201 = arith.index_cast %swap3A_199 : i32 to index
    %swap3A_202 = arith.constant 32 : index
    %swap3A_203 = tpu.vector_load %arg5[%swap3A_200, %swap3A_201, %swap3A_202] {strides = array<i32>} : memref<3x2x64xf32, #tpu.memory_space<vmem>>, vector<1x1x16xf32>,
    %swap3A_204 = vector.shape_cast %swap3A_203 : vector<1x1x16xf32> to vector<16xf32>
    %swap3A_205 = vector.shape_cast %add3A_197 : vector<16xf32> to vector<1x1x16xf32>
    tpu.vector_store %arg5[%swap3A_200, %swap3A_201, %swap3A_202], %swap3A_205 {strides = array<i32>} : memref<3x2x64xf32, #tpu.memory_space<vmem>>, vector<1x1x16xf32>,
    %get3A_206 = arith.constant 2 : i32
    %get3A_207 = arith.index_cast %get3A_206 : i32 to index
    %get3A_208 = arith.constant 48 : index
    %get3A_209 = tpu.vector_load %arg4[%get3A_207, %get3A_208] {strides = array<i32>} : memref<8x64xf32, #tpu.memory_space<vmem>>, vector<1x16xf32>,
    %get3A_210 = vector.shape_cast %get3A_209 : vector<1x16xf32> to vector<16xf32>
    %get3A_211 = arith.constant 3 : i32
    %get3A_212 = arith.index_cast %get3A_211 : i32 to index
    %get3A_213 = arith.constant 48 : index
    %get3A_214 = tpu.vector_load %arg4[%get3A_212, %get3A_213] {strides = array<i32>} : memref<8x64xf32, #tpu.memory_space<vmem>>, vector<1x16xf32>,
    %get3A_215 = vector.shape_cast %get3A_214 : vector<1x16xf32> to vector<16xf32>
    %add3A_216 = arith.addf %get3A_210, %get3A_215 : vector<16xf32>
    %swap3A_217 = arith.constant 1 : i32
    %swap3A_218 = arith.constant 0 : i32
    %swap3A_219 = arith.index_cast %swap3A_217 : i32 to index
    %swap3A_220 = arith.index_cast %swap3A_218 : i32 to index
    %swap3A_221 = arith.constant 48 : index
    %swap3A_222 = tpu.vector_load %arg5[%swap3A_219, %swap3A_220, %swap3A_221] {strides = array<i32>} : memref<3x2x64xf32, #tpu.memory_space<vmem>>, vector<1x1x16xf32>,
    %swap3A_223 = vector.shape_cast %swap3A_222 : vector<1x1x16xf32> to vector<16xf32>
    %swap3A_224 = vector.shape_cast %add3A_216 : vector<16xf32> to vector<1x1x16xf32>
    tpu.vector_store %arg5[%swap3A_219, %swap3A_220, %swap3A_221], %swap3A_224 {strides = array<i32>} : memref<3x2x64xf32, #tpu.memory_space<vmem>>, vector<1x1x16xf32>,
    %get3A_225 = arith.constant 3 : i32
    %get3A_226 = arith.index_cast %get3A_225 : i32 to index
    %get3A_227 = arith.constant 0 : index
    %get3A_228 = tpu.vector_load %arg4[%get3A_226, %get3A_227] {strides = array<i32>} : memref<8x64xf32, #tpu.memory_space<vmem>>, vector<1x16xf32>,
    %get3A_229 = vector.shape_cast %get3A_228 : vector<1x16xf32> to vector<16xf32>
    %get3A_230 = arith.constant 4 : i32
    %get3A_231 = arith.index_cast %get3A_230 : i32 to index
    %get3A_232 = arith.constant 0 : index
    %get3A_233 = tpu.vector_load %arg4[%get3A_231, %get3A_232] {strides = array<i32>} : memref<8x64xf32, #tpu.memory_space<vmem>>, vector<1x16xf32>,
    %get3A_234 = vector.shape_cast %get3A_233 : vector<1x16xf32> to vector<16xf32>
    %add3A_235 = arith.addf %get3A_229, %get3A_234 : vector<16xf32>
    %swap3A_236 = arith.constant 1 : i32
    %swap3A_237 = arith.constant 1 : i32
    %swap3A_238 = arith.index_cast %swap3A_236 : i32 to index
    %swap3A_239 = arith.index_cast %swap3A_237 : i32 to index
    %swap3A_240 = arith.constant 0 : index
    %swap3A_241 = tpu.vector_load %arg5[%swap3A_238, %swap3A_239, %swap3A_240] {strides = array<i32>} : memref<3x2x64xf32, #tpu.memory_space<vmem>>, vector<1x1x16xf32>,
    %swap3A_242 = vector.shape_cast %swap3A_241 : vector<1x1x16xf32> to vector<16xf32>
    %swap3A_243 = vector.shape_cast %add3A_235 : vector<16xf32> to vector<1x1x16xf32>
    tpu.vector_store %arg5[%swap3A_238, %swap3A_239, %swap3A_240], %swap3A_243 {strides = array<i32>} : memref<3x2x64xf32, #tpu.memory_space<vmem>>, vector<1x1x16xf32>,
    %get3A_244 = arith.constant 3 : i32
    %get3A_245 = arith.index_cast %get3A_244 : i32 to index
    %get3A_246 = arith.constant 16 : index
    %get3A_247 = tpu.vector_load %arg4[%get3A_245, %get3A_246] {strides = array<i32>} : memref<8x64xf32, #tpu.memory_space<vmem>>, vector<1x16xf32>,
    %get3A_248 = vector.shape_cast %get3A_247 : vector<1x16xf32> to vector<16xf32>
    %get3A_249 = arith.constant 4 : i32
    %get3A_250 = arith.index_cast %get3A_249 : i32 to index
    %get3A_251 = arith.constant 16 : index
    %get3A_252 = tpu.vector_load %arg4[%get3A_250, %get3A_251] {strides = array<i32>} : memref<8x64xf32, #tpu.memory_space<vmem>>, vector<1x16xf32>,
    %get3A_253 = vector.shape_cast %get3A_252 : vector<1x16xf32> to vector<16xf32>
    %add3A_254 = arith.addf %get3A_248, %get3A_253 : vector<16xf32>
    %swap3A_255 = arith.constant 1 : i32
    %swap3A_256 = arith.constant 1 : i32
    %swap3A_257 = arith.index_cast %swap3A_255 : i32 to index
    %swap3A_258 = arith.index_cast %swap3A_256 : i32 to index
    %swap3A_259 = arith.constant 16 : index
    %swap3A_260 = tpu.vector_load %arg5[%swap3A_257, %swap3A_258, %swap3A_259] {strides = array<i32>} : memref<3x2x64xf32, #tpu.memory_space<vmem>>, vector<1x1x16xf32>,
    %swap3A_261 = vector.shape_cast %swap3A_260 : vector<1x1x16xf32> to vector<16xf32>
    %swap3A_262 = vector.shape_cast %add3A_254 : vector<16xf32> to vector<1x1x16xf32>
    tpu.vector_store %arg5[%swap3A_257, %swap3A_258, %swap3A_259], %swap3A_262 {strides = array<i32>} : memref<3x2x64xf32, #tpu.memory_space<vmem>>, vector<1x1x16xf32>,
    %get3A_263 = arith.constant 3 : i32
    %get3A_264 = arith.index_cast %get3A_263 : i32 to index
    %get3A_265 = arith.constant 32 : index
    %get3A_266 = tpu.vector_load %arg4[%get3A_264, %get3A_265] {strides = array<i32>} : memref<8x64xf32, #tpu.memory_space<vmem>>, vector<1x16xf32>,
    %get3A_267 = vector.shape_cast %get3A_266 : vector<1x16xf32> to vector<16xf32>
    %get3A_268 = arith.constant 4 : i32
    %get3A_269 = arith.index_cast %get3A_268 : i32 to index
    %get3A_270 = arith.constant 32 : index
    %get3A_271 = tpu.vector_load %arg4[%get3A_269, %get3A_270] {strides = array<i32>} : memref<8x64xf32, #tpu.memory_space<vmem>>, vector<1x16xf32>,
    %get3A_272 = vector.shape_cast %get3A_271 : vector<1x16xf32> to vector<16xf32>
    %add3A_273 = arith.addf %get3A_267, %get3A_272 : vector<16xf32>
    %swap3A_274 = arith.constant 1 : i32
    %swap3A_275 = arith.constant 1 : i32
    %swap3A_276 = arith.index_cast %swap3A_274 : i32 to index
    %swap3A_277 = arith.index_cast %swap3A_275 : i32 to index
    %swap3A_278 = arith.constant 32 : index
    %swap3A_279 = tpu.vector_load %arg5[%swap3A_276, %swap3A_277, %swap3A_278] {strides = array<i32>} : memref<3x2x64xf32, #tpu.memory_space<vmem>>, vector<1x1x16xf32>,
    %swap3A_280 = vector.shape_cast %swap3A_279 : vector<1x1x16xf32> to vector<16xf32>
    %swap3A_281 = vector.shape_cast %add3A_273 : vector<16xf32> to vector<1x1x16xf32>
    tpu.vector_store %arg5[%swap3A_276, %swap3A_277, %swap3A_278], %swap3A_281 {strides = array<i32>} : memref<3x2x64xf32, #tpu.memory_space<vmem>>, vector<1x1x16xf32>,
    %get3A_282 = arith.constant 3 : i32
    %get3A_283 = arith.index_cast %get3A_282 : i32 to index
    %get3A_284 = arith.constant 48 : index
    %get3A_285 = tpu.vector_load %arg4[%get3A_283, %get3A_284] {strides = array<i32>} : memref<8x64xf32, #tpu.memory_space<vmem>>, vector<1x16xf32>,
    %get3A_286 = vector.shape_cast %get3A_285 : vector<1x16xf32> to vector<16xf32>
    %get3A_287 = arith.constant 4 : i32
    %get3A_288 = arith.index_cast %get3A_287 : i32 to index
    %get3A_289 = arith.constant 48 : index
    %get3A_290 = tpu.vector_load %arg4[%get3A_288, %get3A_289] {strides = array<i32>} : memref<8x64xf32, #tpu.memory_space<vmem>>, vector<1x16xf32>,
    %get3A_291 = vector.shape_cast %get3A_290 : vector<1x16xf32> to vector<16xf32>
    %add3A_292 = arith.addf %get3A_286, %get3A_291 : vector<16xf32>
    %swap3A_293 = arith.constant 1 : i32
    %swap3A_294 = arith.constant 1 : i32
    %swap3A_295 = arith.index_cast %swap3A_293 : i32 to index
    %swap3A_296 = arith.index_cast %swap3A_294 : i32 to index
    %swap3A_297 = arith.constant 48 : index
    %swap3A_298 = tpu.vector_load %arg5[%swap3A_295, %swap3A_296, %swap3A_297] {strides = array<i32>} : memref<3x2x64xf32, #tpu.memory_space<vmem>>, vector<1x1x16xf32>,
    %swap3A_299 = vector.shape_cast %swap3A_298 : vector<1x1x16xf32> to vector<16xf32>
    %swap3A_300 = vector.shape_cast %add3A_292 : vector<16xf32> to vector<1x1x16xf32>
    tpu.vector_store %arg5[%swap3A_295, %swap3A_296, %swap3A_297], %swap3A_300 {strides = array<i32>} : memref<3x2x64xf32, #tpu.memory_space<vmem>>, vector<1x1x16xf32>,
    %get3A_301 = arith.constant 4 : i32
    %get3A_302 = arith.index_cast %get3A_301 : i32 to index
    %get3A_303 = arith.constant 0 : index
    %get3A_304 = tpu.vector_load %arg4[%get3A_302, %get3A_303] {strides = array<i32>} : memref<8x64xf32, #tpu.memory_space<vmem>>, vector<1x16xf32>,
    %get3A_305 = vector.shape_cast %get3A_304 : vector<1x16xf32> to vector<16xf32>
    %get3A_306 = arith.constant 5 : i32
    %get3A_307 = arith.index_cast %get3A_306 : i32 to index
    %get3A_308 = arith.constant 0 : index
    %get3A_309 = tpu.vector_load %arg4[%get3A_307, %get3A_308] {strides = array<i32>} : memref<8x64xf32, #tpu.memory_space<vmem>>, vector<1x16xf32>,
    %get3A_310 = vector.shape_cast %get3A_309 : vector<1x16xf32> to vector<16xf32>
    %add3A_311 = arith.addf %get3A_305, %get3A_310 : vector<16xf32>
    %swap3A_312 = arith.constant 2 : i32
    %swap3A_313 = arith.constant 0 : i32
    %swap3A_314 = arith.index_cast %swap3A_312 : i32 to index
    %swap3A_315 = arith.index_cast %swap3A_313 : i32 to index
    %swap3A_316 = arith.constant 0 : index
    %swap3A_317 = tpu.vector_load %arg5[%swap3A_314, %swap3A_315, %swap3A_316] {strides = array<i32>} : memref<3x2x64xf32, #tpu.memory_space<vmem>>, vector<1x1x16xf32>,
    %swap3A_318 = vector.shape_cast %swap3A_317 : vector<1x1x16xf32> to vector<16xf32>
    %swap3A_319 = vector.shape_cast %add3A_311 : vector<16xf32> to vector<1x1x16xf32>
    tpu.vector_store %arg5[%swap3A_314, %swap3A_315, %swap3A_316], %swap3A_319 {strides = array<i32>} : memref<3x2x64xf32, #tpu.memory_space<vmem>>, vector<1x1x16xf32>,
    %get3A_320 = arith.constant 4 : i32
    %get3A_321 = arith.index_cast %get3A_320 : i32 to index
    %get3A_322 = arith.constant 16 : index
    %get3A_323 = tpu.vector_load %arg4[%get3A_321, %get3A_322] {strides = array<i32>} : memref<8x64xf32, #tpu.memory_space<vmem>>, vector<1x16xf32>,
    %get3A_324 = vector.shape_cast %get3A_323 : vector<1x16xf32> to vector<16xf32>
    %get3A_325 = arith.constant 5 : i32
    %get3A_326 = arith.index_cast %get3A_325 : i32 to index
    %get3A_327 = arith.constant 16 : index
    %get3A_328 = tpu.vector_load %arg4[%get3A_326, %get3A_327] {strides = array<i32>} : memref<8x64xf32, #tpu.memory_space<vmem>>, vector<1x16xf32>,
    %get3A_329 = vector.shape_cast %get3A_328 : vector<1x16xf32> to vector<16xf32>
    %add3A_330 = arith.addf %get3A_324, %get3A_329 : vector<16xf32>
    %swap3A_331 = arith.constant 2 : i32
    %swap3A_332 = arith.constant 0 : i32
    %swap3A_333 = arith.index_cast %swap3A_331 : i32 to index
    %swap3A_334 = arith.index_cast %swap3A_332 : i32 to index
    %swap3A_335 = arith.constant 16 : index
    %swap3A_336 = tpu.vector_load %arg5[%swap3A_333, %swap3A_334, %swap3A_335] {strides = array<i32>} : memref<3x2x64xf32, #tpu.memory_space<vmem>>, vector<1x1x16xf32>,
    %swap3A_337 = vector.shape_cast %swap3A_336 : vector<1x1x16xf32> to vector<16xf32>
    %swap3A_338 = vector.shape_cast %add3A_330 : vector<16xf32> to vector<1x1x16xf32>
    tpu.vector_store %arg5[%swap3A_333, %swap3A_334, %swap3A_335], %swap3A_338 {strides = array<i32>} : memref<3x2x64xf32, #tpu.memory_space<vmem>>, vector<1x1x16xf32>,
    %get3A_339 = arith.constant 4 : i32
    %get3A_340 = arith.index_cast %get3A_339 : i32 to index
    %get3A_341 = arith.constant 32 : index
    %get3A_342 = tpu.vector_load %arg4[%get3A_340, %get3A_341] {strides = array<i32>} : memref<8x64xf32, #tpu.memory_space<vmem>>, vector<1x16xf32>,
    %get3A_343 = vector.shape_cast %get3A_342 : vector<1x16xf32> to vector<16xf32>
    %get3A_344 = arith.constant 5 : i32
    %get3A_345 = arith.index_cast %get3A_344 : i32 to index
    %get3A_346 = arith.constant 32 : index
    %get3A_347 = tpu.vector_load %arg4[%get3A_345, %get3A_346] {strides = array<i32>} : memref<8x64xf32, #tpu.memory_space<vmem>>, vector<1x16xf32>,
    %get3A_348 = vector.shape_cast %get3A_347 : vector<1x16xf32> to vector<16xf32>
    %add3A_349 = arith.addf %get3A_343, %get3A_348 : vector<16xf32>
    %swap3A_350 = arith.constant 2 : i32
    %swap3A_351 = arith.constant 0 : i32
    %swap3A_352 = arith.index_cast %swap3A_350 : i32 to index
    %swap3A_353 = arith.index_cast %swap3A_351 : i32 to index
    %swap3A_354 = arith.constant 32 : index
    %swap3A_355 = tpu.vector_load %arg5[%swap3A_352, %swap3A_353, %swap3A_354] {strides = array<i32>} : memref<3x2x64xf32, #tpu.memory_space<vmem>>, vector<1x1x16xf32>,
    %swap3A_356 = vector.shape_cast %swap3A_355 : vector<1x1x16xf32> to vector<16xf32>
    %swap3A_357 = vector.shape_cast %add3A_349 : vector<16xf32> to vector<1x1x16xf32>
    tpu.vector_store %arg5[%swap3A_352, %swap3A_353, %swap3A_354], %swap3A_357 {strides = array<i32>} : memref<3x2x64xf32, #tpu.memory_space<vmem>>, vector<1x1x16xf32>,
    %get3A_358 = arith.constant 4 : i32
    %get3A_359 = arith.index_cast %get3A_358 : i32 to index
    %get3A_360 = arith.constant 48 : index
    %get3A_361 = tpu.vector_load %arg4[%get3A_359, %get3A_360] {strides = array<i32>} : memref<8x64xf32, #tpu.memory_space<vmem>>, vector<1x16xf32>,
    %get3A_362 = vector.shape_cast %get3A_361 : vector<1x16xf32> to vector<16xf32>
    %get3A_363 = arith.constant 5 : i32
    %get3A_364 = arith.index_cast %get3A_363 : i32 to index
    %get3A_365 = arith.constant 48 : index
    %get3A_366 = tpu.vector_load %arg4[%get3A_364, %get3A_365] {strides = array<i32>} : memref<8x64xf32, #tpu.memory_space<vmem>>, vector<1x16xf32>,
    %get3A_367 = vector.shape_cast %get3A_366 : vector<1x16xf32> to vector<16xf32>
    %add3A_368 = arith.addf %get3A_362, %get3A_367 : vector<16xf32>
    %swap3A_369 = arith.constant 2 : i32
    %swap3A_370 = arith.constant 0 : i32
    %swap3A_371 = arith.index_cast %swap3A_369 : i32 to index
    %swap3A_372 = arith.index_cast %swap3A_370 : i32 to index
    %swap3A_373 = arith.constant 48 : index
    %swap3A_374 = tpu.vector_load %arg5[%swap3A_371, %swap3A_372, %swap3A_373] {strides = array<i32>} : memref<3x2x64xf32, #tpu.memory_space<vmem>>, vector<1x1x16xf32>,
    %swap3A_375 = vector.shape_cast %swap3A_374 : vector<1x1x16xf32> to vector<16xf32>
    %swap3A_376 = vector.shape_cast %add3A_368 : vector<16xf32> to vector<1x1x16xf32>
    tpu.vector_store %arg5[%swap3A_371, %swap3A_372, %swap3A_373], %swap3A_376 {strides = array<i32>} : memref<3x2x64xf32, #tpu.memory_space<vmem>>, vector<1x1x16xf32>,
    %get3A_377 = arith.constant 5 : i32
    %get3A_378 = arith.index_cast %get3A_377 : i32 to index
    %get3A_379 = arith.constant 0 : index
    %get3A_380 = tpu.vector_load %arg4[%get3A_378, %get3A_379] {strides = array<i32>} : memref<8x64xf32, #tpu.memory_space<vmem>>, vector<1x16xf32>,
    %get3A_381 = vector.shape_cast %get3A_380 : vector<1x16xf32> to vector<16xf32>
    %get3A_382 = arith.constant 6 : i32
    %get3A_383 = arith.index_cast %get3A_382 : i32 to index
    %get3A_384 = arith.constant 0 : index
    %get3A_385 = tpu.vector_load %arg4[%get3A_383, %get3A_384] {strides = array<i32>} : memref<8x64xf32, #tpu.memory_space<vmem>>, vector<1x16xf32>,
    %get3A_386 = vector.shape_cast %get3A_385 : vector<1x16xf32> to vector<16xf32>
    %add3A_387 = arith.addf %get3A_381, %get3A_386 : vector<16xf32>
    %swap3A_388 = arith.constant 2 : i32
    %swap3A_389 = arith.constant 1 : i32
    %swap3A_390 = arith.index_cast %swap3A_388 : i32 to index
    %swap3A_391 = arith.index_cast %swap3A_389 : i32 to index
    %swap3A_392 = arith.constant 0 : index
    %swap3A_393 = tpu.vector_load %arg5[%swap3A_390, %swap3A_391, %swap3A_392] {strides = array<i32>} : memref<3x2x64xf32, #tpu.memory_space<vmem>>, vector<1x1x16xf32>,
    %swap3A_394 = vector.shape_cast %swap3A_393 : vector<1x1x16xf32> to vector<16xf32>
    %swap3A_395 = vector.shape_cast %add3A_387 : vector<16xf32> to vector<1x1x16xf32>
    tpu.vector_store %arg5[%swap3A_390, %swap3A_391, %swap3A_392], %swap3A_395 {strides = array<i32>} : memref<3x2x64xf32, #tpu.memory_space<vmem>>, vector<1x1x16xf32>,
    %get3A_396 = arith.constant 5 : i32
    %get3A_397 = arith.index_cast %get3A_396 : i32 to index
    %get3A_398 = arith.constant 16 : index
    %get3A_399 = tpu.vector_load %arg4[%get3A_397, %get3A_398] {strides = array<i32>} : memref<8x64xf32, #tpu.memory_space<vmem>>, vector<1x16xf32>,
    %get3A_400 = vector.shape_cast %get3A_399 : vector<1x16xf32> to vector<16xf32>
    %get3A_401 = arith.constant 6 : i32
    %get3A_402 = arith.index_cast %get3A_401 : i32 to index
    %get3A_403 = arith.constant 16 : index
    %get3A_404 = tpu.vector_load %arg4[%get3A_402, %get3A_403] {strides = array<i32>} : memref<8x64xf32, #tpu.memory_space<vmem>>, vector<1x16xf32>,
    %get3A_405 = vector.shape_cast %get3A_404 : vector<1x16xf32> to vector<16xf32>
    %add3A_406 = arith.addf %get3A_400, %get3A_405 : vector<16xf32>
    %swap3A_407 = arith.constant 2 : i32
    %swap3A_408 = arith.constant 1 : i32
    %swap3A_409 = arith.index_cast %swap3A_407 : i32 to index
    %swap3A_410 = arith.index_cast %swap3A_408 : i32 to index
    %swap3A_411 = arith.constant 16 : index
    %swap3A_412 = tpu.vector_load %arg5[%swap3A_409, %swap3A_410, %swap3A_411] {strides = array<i32>} : memref<3x2x64xf32, #tpu.memory_space<vmem>>, vector<1x1x16xf32>,
    %swap3A_413 = vector.shape_cast %swap3A_412 : vector<1x1x16xf32> to vector<16xf32>
    %swap3A_414 = vector.shape_cast %add3A_406 : vector<16xf32> to vector<1x1x16xf32>
    tpu.vector_store %arg5[%swap3A_409, %swap3A_410, %swap3A_411], %swap3A_414 {strides = array<i32>} : memref<3x2x64xf32, #tpu.memory_space<vmem>>, vector<1x1x16xf32>,
    %get3A_415 = arith.constant 5 : i32
    %get3A_416 = arith.index_cast %get3A_415 : i32 to index
    %get3A_417 = arith.constant 32 : index
    %get3A_418 = tpu.vector_load %arg4[%get3A_416, %get3A_417] {strides = array<i32>} : memref<8x64xf32, #tpu.memory_space<vmem>>, vector<1x16xf32>,
    %get3A_419 = vector.shape_cast %get3A_418 : vector<1x16xf32> to vector<16xf32>
    %get3A_420 = arith.constant 6 : i32
    %get3A_421 = arith.index_cast %get3A_420 : i32 to index
    %get3A_422 = arith.constant 32 : index
    %get3A_423 = tpu.vector_load %arg4[%get3A_421, %get3A_422] {strides = array<i32>} : memref<8x64xf32, #tpu.memory_space<vmem>>, vector<1x16xf32>,
    %get3A_424 = vector.shape_cast %get3A_423 : vector<1x16xf32> to vector<16xf32>
    %add3A_425 = arith.addf %get3A_419, %get3A_424 : vector<16xf32>
    %swap3A_426 = arith.constant 2 : i32
    %swap3A_427 = arith.constant 1 : i32
    %swap3A_428 = arith.index_cast %swap3A_426 : i32 to index
    %swap3A_429 = arith.index_cast %swap3A_427 : i32 to index
    %swap3A_430 = arith.constant 32 : index
    %swap3A_431 = tpu.vector_load %arg5[%swap3A_428, %swap3A_429, %swap3A_430] {strides = array<i32>} : memref<3x2x64xf32, #tpu.memory_space<vmem>>, vector<1x1x16xf32>,
    %swap3A_432 = vector.shape_cast %swap3A_431 : vector<1x1x16xf32> to vector<16xf32>
    %swap3A_433 = vector.shape_cast %add3A_425 : vector<16xf32> to vector<1x1x16xf32>
    tpu.vector_store %arg5[%swap3A_428, %swap3A_429, %swap3A_430], %swap3A_433 {strides = array<i32>} : memref<3x2x64xf32, #tpu.memory_space<vmem>>, vector<1x1x16xf32>,
    %get3A_434 = arith.constant 5 : i32
    %get3A_435 = arith.index_cast %get3A_434 : i32 to index
    %get3A_436 = arith.constant 48 : index
    %get3A_437 = tpu.vector_load %arg4[%get3A_435, %get3A_436] {strides = array<i32>} : memref<8x64xf32, #tpu.memory_space<vmem>>, vector<1x16xf32>,
    %get3A_438 = vector.shape_cast %get3A_437 : vector<1x16xf32> to vector<16xf32>
    %get3A_439 = arith.constant 6 : i32
    %get3A_440 = arith.index_cast %get3A_439 : i32 to index
    %get3A_441 = arith.constant 48 : index
    %get3A_442 = tpu.vector_load %arg4[%get3A_440, %get3A_441] {strides = array<i32>} : memref<8x64xf32, #tpu.memory_space<vmem>>, vector<1x16xf32>,
    %get3A_443 = vector.shape_cast %get3A_442 : vector<1x16xf32> to vector<16xf32>
    %add3A_444 = arith.addf %get3A_438, %get3A_443 : vector<16xf32>
    %swap3A_445 = arith.constant 2 : i32
    %swap3A_446 = arith.constant 1 : i32
    %swap3A_447 = arith.index_cast %swap3A_445 : i32 to index
    %swap3A_448 = arith.index_cast %swap3A_446 : i32 to index
    %swap3A_449 = arith.constant 48 : index
    %swap3A_450 = tpu.vector_load %arg5[%swap3A_447, %swap3A_448, %swap3A_449] {strides = array<i32>} : memref<3x2x64xf32, #tpu.memory_space<vmem>>, vector<1x1x16xf32>,
    %swap3A_451 = vector.shape_cast %swap3A_450 : vector<1x1x16xf32> to vector<16xf32>
    %swap3A_452 = vector.shape_cast %add3A_444 : vector<16xf32> to vector<1x1x16xf32>
    tpu.vector_store %arg5[%swap3A_447, %swap3A_448, %swap3A_449], %swap3A_452 {strides = array<i32>} : memref<3x2x64xf32, #tpu.memory_space<vmem>>, vector<1x1x16xf32>,
    "tpu.region"() ({
      %run_scoped3A = tpu.sem_alloc : memref<!tpu.dma_semaphore, #tpu.memory_space<semaphore_mem>>
      tpu.enqueue_dma source(%arg5 : memref<3x2x64xf32, #tpu.memory_space<vmem>>) target(%arg3 : memref<3x2x64xf32, #tpu.memory_space<hbm>>) target_semaphore(%run_scoped3A : memref<!tpu.dma_semaphore, #tpu.memory_space<semaphore_mem>>)
      tpu.wait_dma2 semaphore(%run_scoped3A : memref<!tpu.dma_semaphore, #tpu.memory_space<semaphore_mem>>) src(%arg5 : memref<3x2x64xf32, #tpu.memory_space<vmem>>) dst(%arg3 : memref<3x2x64xf32, #tpu.memory_space<hbm>>)
      tpu.yield
    }) : () -> ()
    return
  }
}

</mosaic_0001>

<sc_bundles>
// kernel: kernel.3.cloned.1.call-start
scs
__scs_entry_jumppad:
0x0: {  	(pc) =	sbr.rel $0x88, $3  }
0x1: {  	(tag) =	ssettag $0x0;
	lr =	simm.s32 $0x1  }
0x2: {  	[smem:$0x3FA0] =	sst lr;
	_ =	strace $0xD0000000  }
0x3: {  	_ = 	snop  }
0x4: {  	_ = 	snop  }
0x5: {  	_ = 	snop  }
0x6: {  	_ = 	snop  }
0x7: {  	_ = 	snop  }
__scs_overlays_trampoline_lowered:
0x8: {  	[smem:$0x3FAF] =	sst s0  }
0x9: {  	[smem:$0x3FB0] =	sst s1  }
0xa: {  	[smem:$0x3FB1] =	sst s2  }
0xb: {  	[smem:$0x3FB2] =	sst s3  }
0xc: {  	[smem:$0x3FB3] =	sst s4  }
0xd: {  	[smem:$0x3FB4] =	sst s5  }
0xe: {  	[smem:$0x3FB5] =	sst s6  }
0xf: {  	[smem:$0x3FB6] =	sst s7  }
0x10: {  	[smem:$0x3FB7] =	sst s8  }
0x11: {  	[smem:$0x3FB8] =	sst s9;
	s0 =	simm.s32 @!p0 $0x0  }
0x12: {  	s1 =	sld [smem:$0x3F9E];
	s0 =	simm.s32 @p0 $0x1  }
0x13: {  	[smem:$0x3FB9] =	sst s0;
	s0 =	simm.s32 @!p1 $0x0  }
0x14: {  	s2 =	sld [smem:$0x3F9D];
	s0 =	simm.s32 @p1 $0x1  }
0x15: {  	[smem:$0x3FBA] =	sst s0;
	s0 =	simm.s32 @!p2 $0x0  }
0x16: {  	s3 =	sld [smem:$0x3FDB];
	s0 =	simm.s32 @p2 $0x1  }
0x17: {  	s4 =	simm.s32 $0x1BF5;
	[smem:$0x3FBC] =	sst s0  }
0x18: {  	s0 =	sld [smem:$0x3F9F];
	_ =	swait.ge [sflag:s4], $0x0  }
0x19: {  	s7 =	sld [smem:$0x3FA0]  }
0x1a: {  	s8 =	sadd.s32 $0xFFFFE003, lr  }
0x1b: {  	s9 =	sadd.s32 $0xFFFFFEF7, lr;
	s5 =	simm.s32 $0xFFFFFFFF;
	p2 =	slt.u32 s8, $0xFFFFF086  }
0x1c: {  	p1 =	slt.u32 s9, $0xF7A;
	s5 =	simm.s32 @!p2 $0x0  }
0x1d: {  	s5 =	simm.s32 @p1 $0x1;
	p0 =	seq.s32 s7, s2  }
0x1e: {  	s7 =	smul.u32 @!p0 $0xF7A, s2;
	p2 =	seq.s32 @!p0 s5, $0x0  }
0x1f: {  	s9 =	smul.u32 $0xF7A, s1;
	s8 =	simm.s32 @!p0 $0x1BF5;
	p2 =	por !p2, p0  }
0x20: {  	[sflag:s8] =	ssyncset.s32 @!p0 $0xFFFFF086;
	s6 =	sadd.s32 @!p0 s3, s7;
	s7 =	simm.s32 @!p0 $0x108  }
0x21: {  	s3 =	sadd.s32 s3, s9;
	s6 =	sadd.s32 @!p0 $0x88, s6;
	s7 =	simm.s32 @p2 $0x1082  }
0x22: {  	[simem:s7], [sflag:s8] =	dma.local @!p0 [hbm:s6], $0xF7A  }
0x23: {  	s9 =	sor.u32 $0xD0000000, s2;
	s6 =	simm.s32 $0x108;
	_ =	swait.ge @!p0 [sflag:s8], $0x0  }
0x24: {  	s3 =	sadd.s32 $0x88, s3;
	s6 =	simm.s32 @!p1 $0x1082;
	[sflag:s4] =	ssyncset.s32 $0xFFFFF086  }
0x25: {  	[simem:s6], [sflag:s4] =	dma.local [hbm:s3], $0xF7A  }
0x26: {  	[smem:$0x3FA0] =	sst s1;
	(tag) =	ssettag s2;
	_ =	strace s9  }
0x27: {  	s1 =	sld [smem:$0x3FB0]  }
0x28: {  	s2 =	sld [smem:$0x3FB1]  }
0x29: {  	s4 =	sld [smem:$0x3FB3]  }
0x2a: {  	p0 =	seq.s32 s5, $0x0;
	s5 =	sld [smem:$0x3FB4]  }
0x2b: {  	s6 =	sld [smem:$0x3FB5]  }
0x2c: {  	s7 =	sld [smem:$0x3FB6]  }
0x2d: {  	s3 =	simm.s32 $0x108;
	s8 =	sld [smem:$0x3FB7]  }
0x2e: {  	s3 =	simm.s32 @!p0 $0x1082;
	s9 =	sld [smem:$0x3FB8]  }
0x2f: {  	lr =	sadd.s32 s0, s3;
	s0 =	sld [smem:$0x3FAF]  }
0x30: {  	s3 =	sld [smem:$0x3FB2]  }
0x31: {  	[smem:$0x3FBB] =	sst s10  }
0x32: {  	s10 =	sld [smem:$0x3FB9];
	_ =	sdelay $0x3  }
0x33: {  	p0 =	seq.s32 s10, $0x1;
	s10 =	sld [smem:$0x3FBB];
	_ =	sdelay $0x3  }
0x34: {  	[smem:$0x3FBB] =	sst s10  }
0x35: {  	s10 =	sld [smem:$0x3FBA];
	_ =	sdelay $0x3  }
0x36: {  	p1 =	seq.s32 s10, $0x1;
	s10 =	sld [smem:$0x3FBB];
	_ =	sdelay $0x3  }
0x37: {  	[smem:$0x3FBB] =	sst s10  }
0x38: {  	s10 =	sld [smem:$0x3FBC]  }
0x39: {  	_ = 	snop;
	(pc) =	sbr.ind lr, $3  }
0x3a: {  	_ = 	snop  }
0x3b: {  	_ = 	snop  }
0x3c: {  	p2 =	seq.s32 s10, $0x1;
	s10 =	sld [smem:$0x3FBB]  }
0x3d: {  	_ =	shalt  }
0x3e: {  	_ =	shalt  }
0x3f: {  	_ =	shalt  }
0x40: {  	_ =	shalt  }
0x41: {  	_ =	shalt  }
0x42: {  	_ =	shalt  }
0x43: {  	_ =	shalt  }
0x44: {  	_ =	shalt  }
0x45: {  	_ =	shalt  }
0x46: {  	_ =	shalt  }
0x47: {  	_ =	shalt  }
0x48: {  	_ =	shalt  }
0x49: {  	_ =	shalt  }
0x4a: {  	_ =	shalt  }
0x4b: {  	_ =	shalt  }
0x4c: {  	_ =	shalt  }
0x4d: {  	_ =	shalt  }
0x4e: {  	_ =	shalt  }
0x4f: {  	_ =	shalt  }
0x50: {  	_ =	shalt  }
0x51: {  	_ =	shalt  }
0x52: {  	_ =	shalt  }
0x53: {  	_ =	shalt  }
0x54: {  	_ =	shalt  }
0x55: {  	_ =	shalt  }
0x56: {  	_ =	shalt  }
0x57: {  	_ =	shalt  }
0x58: {  	_ =	shalt  }
0x59: {  	_ =	shalt  }
0x5a: {  	_ =	shalt  }
0x5b: {  	_ =	shalt  }
0x5c: {  	_ =	shalt  }
0x5d: {  	_ =	shalt  }
0x5e: {  	_ =	shalt  }
0x5f: {  	_ =	shalt  }
0x60: {  	_ =	shalt  }
0x61: {  	_ =	shalt  }
0x62: {  	_ =	shalt  }
0x63: {  	_ =	shalt  }
0x64: {  	_ =	shalt  }
0x65: {  	_ =	shalt  }
0x66: {  	_ =	shalt  }
0x67: {  	_ =	shalt  }
0x68: {  	_ =	shalt  }
0x69: {  	_ =	shalt  }
0x6a: {  	_ =	shalt  }
0x6b: {  	_ =	shalt  }
0x6c: {  	_ =	shalt  }
0x6d: {  	_ =	shalt  }
0x6e: {  	_ =	shalt  }
0x6f: {  	_ =	shalt  }
0x70: {  	_ =	shalt  }
0x71: {  	_ =	shalt  }
0x72: {  	_ =	shalt  }
0x73: {  	_ =	shalt  }
0x74: {  	_ =	shalt  }
0x75: {  	_ =	shalt  }
0x76: {  	_ =	shalt  }
0x77: {  	_ =	shalt  }
0x78: {  	_ =	shalt  }
0x79: {  	_ =	shalt  }
0x7a: {  	_ =	shalt  }
0x7b: {  	_ =	shalt  }
0x7c: {  	_ =	shalt  }
0x7d: {  	_ =	shalt  }
0x7e: {  	_ =	shalt  }
0x7f: {  	_ =	shalt  }
0x80: {  	_ =	shalt  }
0x81: {  	_ =	shalt  }
0x82: {  	_ =	shalt  }
0x83: {  	_ =	shalt  }
0x84: {  	_ =	shalt  }
0x85: {  	_ =	shalt  }
0x86: {  	_ =	shalt  }
0x87: {  	_ =	shalt  }
.Lfunc_end0:
.L_simem_size_0:
called_computation_lowered:
.L_overlay_start_0:
0x88: {  	s0 =	sld [smem:$0x3FD9]  }
0x89: {  	s1 =	sld [smem:$0x3FFE];
	_ =	sdelay $0x3  }
0x8a: {  	s0 =	sadd.s32 s1, s0  }
0x8b: {  	[smem:$0x3FC7] =	sst s0  }
0x8c: {  	_ = 	snop  }
0x8d: {  	s0 =	sld [smem:$0x3FD0];
	(tm) =	ssettm $0x1  }
0x8e: {  	s16 =	sld [smem:$0x3FFB];
	_ =	sdelay $0x3  }
0x8f: {  	_ =	strace s16  }
0x90: {  	s1 =	sld [smem:$0x3FFC];
	_ =	sdelay $0x3  }
0x91: {  	_ =	strace s1  }
0x92: {  	s1 =	sld [smem:$0x3FFD];
	_ =	sdelay $0x3  }
0x93: {  	_ =	strace s1  }
0x94: {  	_ =	strace $0x8FFFFFFF  }
0x95: {  	s17 =	sld [smem:$0x3FDB];
	_ =	sdelay $0x1  }
0x96: {  	s2 =	simm.s32 $_scs_section_size  }
0x97: {  	s3 =	simm.s32 $_size__tile_overlayer_lowered;
	s4 =	simm.s32 $_tile_overlayer_lowered  }
0x98: {  	s20 =	simm.s32 $0x1BFF;
	s19 =	sshll.u32 s4, $0x1;
	s1 =	sadd.s32 s2, s17  }
0x99: {  	s5 =	simm.s32 $0x0;
	s18 =	sshll.u32 s3, $0x1;
	s3 =	sadd.s32 s19, s1  }
0x9a: {  	[timem:s5], [sflag:s20] =	dma.local [hbm:s3], s18  }
0x9b: {  	_ =	swait.ge [sflag:s20], s18  }
0x9c: {  	s2 =	ssub.s32 $0x0, s18;
	[sflag:s20] =	ssyncset.done $0x0  }
0x9d: {  	[sflag:s20] =	ssyncadd.s32 s2;
	_ =	sdelay $0x1  }
0x9e: {  	s21 =	simm.s32 $0x1B8B  }
0x9f: {  	_ =	swait.ge [sflag:s21], $0x1  }
0xa0: {  	[sflag:s21] =	ssyncset.done $0x0  }
0xa1: {  	s23 =	simm.s32 $0x1B8E;
	s22 =	sld [smem:$0x3FFE];
	[sflag:s21] =	ssyncadd.s32 $0xFFFFFFFF  }
0xa2: {  	s24 =	simm.s32 $execute0_lowered;
	[smem:$0x3FD2] =	sst s23  }
0xa3: {  	s3 =	sshll.u32 s24, $0x1;
	_ =	strace $0x80000046;
	[dreg:$0x1] =	wrdreg $0xFFFFFFFF  }
0xa4: {  	s25 =	simm.s32 $_size_execute0_lowered;
	s1 =	sadd.s32 s1, s3;
	[dreg:$0x0] =	wrdreg $0x0  }
0xa5: {  	s3 =	sshll.u32 s25, $0x1;
	[dreg:$0x2] =	wrdreg s1  }
0xa6: {  	[dreg:$0x3] =	wrdreg s3  }
0xa7: {  	[dreg:$0x4] =	wrdreg $0xC0  }
0xa8: {  	_ =	task [dreg:s5], $0x5FFFF  }
0xa9: {  	[dreg:$0x1] =	wrdreg $0xFFFFFFFF  }
0xaa: {  	[dreg:$0x0] =	wrdreg $0x60  }
0xab: {  	[dreg:$0x2] =	wrdreg s22  }
0xac: {  	[dreg:$0x3] =	wrdreg s0  }
0xad: {  	[dreg:$0x4] =	wrdreg $0x9  }
0xae: {  	_ =	task.clear_ibuf [dreg:s5], $0x5FFFF;
	_ =	strace $0x90000046  }
0xaf: {  	s26 =	simm.s32 $0x9;
	_ =	strace $0x80000048  }
0xb0: {  	_ =	swait.ge [sflag:s26], $0x1  }
0xb1: {  	[sflag:s26] =	ssyncadd.s32 $0xFFFFFFFF  }
0xb2: {  	_ =	strace $0x90000048  }
0xb3: {  	_ =	sfence  }
0xb4: {  	s28 =	sld [smem:$0x0];
	_ =	sdelay $0x1  }
0xb5: {  	s29 =	srdreg.scid  }
0xb6: {  	s30 =	sshll.u32 s29, $0xD;
	s31 =	sshrl.u32 s29, $0x2  }
0xb7: {  	s2 =	sand.u32 $0x4000, s30;
	s1 =	sand.u32 $0x1, s29;
	s0 =	sadd.s32 s31, s28  }
0xb8: {  	s1 =	sor.u32 s2, s1;
	s0 =	sshll.u32 s0, $0x11  }
0xb9: {  	s0 =	sor.u32 s0, s1  }
0xba: {  	s0 =	sadd.s32 $0x8F2B, s0  }
0xbb: {  	[sflag:s0] =	ssyncadd.remote.s32 $0x1  }
0xbc: {  	_ =	sfence.sel $0xFFFF  }
0xbd: {  	[dreg:$0x0] =	wrdreg $0xFFFFFFFF;
	(pc) =	sbr.abs _section_cstart, $3  }
0xbe: {  	[dreg:$0x1] =	wrdreg $0xFFFFFFFF  }
0xbf: {  	_ =	task.clear_ibuf [dreg:s5], $0x2FFFF;
	_ =	strace $0x9FFFFFFF  }
0xc0: {  	(tm) =	ssettm $0x7FFFFFFF  }
0xc1: {  	_ =	shalt  }
tec
execute0_lowered:
.L_overlay_start_1:
0x0: {  	(tag) =	ssettag $0x1  }
0x1: {  	s3 =	stileid.u32  }
0x2: {  	p0 =	sne.s32 s3, $0x0  }
.Ltmp0:
0x3: {  	_ = 	snop;
	(pc) =	sbr.rel @p0 .LBB2_2-.Ltmp0, $4  }
0x4: {  	_ = 	snop  }
0x5: {  	s2 =	rddreg [dreg:$0x0]  }
0x6: {  	s1 =	rddreg [dreg:$0x1]  }
0x7: {  	s0 =	rddreg [dreg:$0x2];
	_ =	strace $0x80000047  }
0x8: {  	s2 =	sadd.s32 $0x400, s2;
	s3 =	simm.s32 $0x0;
	s31 =	simm.s32 $0x1  }
0x9: {  	[tilespmem:s3], [sflag:$0x1] =	stream.linear.gather [hbm4b:s2+s3], $0x400, $0x38;
	[tilespmem:$0x700] =	vst v63  }
0xa: {  	_ =	swait.ge [sflag:s31], $0x400  }
0xb: {  	[sflag:s31] =	ssyncset.done $0x0  }
0xc: {  	[sflag:s31] =	ssyncadd.s32 $0xFFFFFC00  }
0xd: {  	v0 =	vld [tilespmem:$0x0]  }
0xe: {  	v1 =	vld [tilespmem:$0x80]  }
0xf: {  	v2 =	vld [tilespmem:$0x10]  }
0x10: {  	v3 =	vld [tilespmem:$0x90]  }
0x11: {  	v4 =	vld [tilespmem:$0x20]  }
0x12: {  	v5 =	vld [tilespmem:$0xA0]  }
0x13: {  	v6 =	vld [tilespmem:$0x30]  }
0x14: {  	v7 =	vld [tilespmem:$0xB0]  }
0x15: {  	v8 =	vld [tilespmem:$0x80]  }
0x16: {  	v9 =	vld [tilespmem:$0x100]  }
0x17: {  	v10 =	vld [tilespmem:$0x90]  }
0x18: {  	v11 =	vld [tilespmem:$0x110]  }
0x19: {  	v12 =	vld [tilespmem:$0xA0]  }
0x1a: {  	v13 =	vld [tilespmem:$0x120]  }
0x1b: {  	v14 =	vld [tilespmem:$0xB0]  }
0x1c: {  	v15 =	vld [tilespmem:$0x130]  }
0x1d: {  	v16 =	vld [tilespmem:$0x100]  }
0x1e: {  	v17 =	vld [tilespmem:$0x180]  }
0x1f: {  	v18 =	vld [tilespmem:$0x110]  }
0x20: {  	v19 =	vld [tilespmem:$0x190]  }
0x21: {  	v20 =	vld [tilespmem:$0x120]  }
0x22: {  	v21 =	vld [tilespmem:$0x1A0]  }
0x23: {  	v22 =	vld [tilespmem:$0x130]  }
0x24: {  	v23 =	vld [tilespmem:$0x1B0]  }
0x25: {  	v24 =	vld [tilespmem:$0x180]  }
0x26: {  	v25 =	vld [tilespmem:$0x200]  }
0x27: {  	v26 =	vld [tilespmem:$0x190]  }
0x28: {  	v27 =	vld [tilespmem:$0x210]  }
0x29: {  	v28 =	vld [tilespmem:$0x1A0]  }
0x2a: {  	v59 =	vld [tilespmem:$0x220];
	v0 =	vadd.f32 v1, v0  }
0x2b: {  	v60 =	vld [tilespmem:$0x1B0];
	v2 =	vadd.f32 v3, v2  }
0x2c: {  	v62 =	vld [tilespmem:$0x230];
	v61 =	vadd.f32 v5, v4;
	[tilespmem:$0x400] =	vst v0  }
0x2d: {  	v29 =	vld [tilespmem:$0x200];
	v63 =	vadd.f32 v7, v6;
	[tilespmem:$0x410] =	vst v2  }
0x2e: {  	v31 =	vld [tilespmem:$0x280];
	v30 =	vadd.f32 v9, v8;
	[tilespmem:$0x420] =	vst v61  }
0x2f: {  	v33 =	vld [tilespmem:$0x210];
	v32 =	vadd.f32 v11, v10;
	[tilespmem:$0x430] =	vst v63  }
0x30: {  	v35 =	vld [tilespmem:$0x290];
	v34 =	vadd.f32 v13, v12;
	[tilespmem:$0x480] =	vst v30  }
0x31: {  	v37 =	vld [tilespmem:$0x220];
	v36 =	vadd.f32 v15, v14;
	[tilespmem:$0x490] =	vst v32  }
0x32: {  	v39 =	vld [tilespmem:$0x2A0];
	v38 =	vadd.f32 v17, v16;
	[tilespmem:$0x4A0] =	vst v34  }
0x33: {  	v41 =	vld [tilespmem:$0x230];
	v40 =	vadd.f32 v19, v18;
	[tilespmem:$0x4B0] =	vst v36  }
0x34: {  	v43 =	vld [tilespmem:$0x2B0];
	v42 =	vadd.f32 v21, v20;
	[tilespmem:$0x500] =	vst v38  }
0x35: {  	v45 =	vld [tilespmem:$0x280];
	v44 =	vadd.f32 v23, v22;
	[tilespmem:$0x510] =	vst v40  }
0x36: {  	v47 =	vld [tilespmem:$0x300];
	v46 =	vadd.f32 v25, v24;
	[tilespmem:$0x520] =	vst v42  }
0x37: {  	v49 =	vld [tilespmem:$0x290];
	v48 =	vadd.f32 v27, v26;
	[tilespmem:$0x530] =	vst v44  }
0x38: {  	v51 =	vld [tilespmem:$0x310];
	v50 =	vadd.f32 v59, v28;
	[tilespmem:$0x580] =	vst v46  }
0x39: {  	v53 =	vld [tilespmem:$0x2A0];
	v52 =	vadd.f32 v62, v60;
	[tilespmem:$0x590] =	vst v48  }
0x3a: {  	v55 =	vld [tilespmem:$0x320];
	v54 =	vadd.f32 v31, v29;
	[tilespmem:$0x5A0] =	vst v50  }
0x3b: {  	v57 =	vld [tilespmem:$0x2B0];
	v56 =	vadd.f32 v35, v33;
	[tilespmem:$0x5B0] =	vst v52  }
0x3c: {  	v58 =	vadd.f32 v39, v37;
	v59 =	vld [tilespmem:$0x330];
	[tilespmem:$0x600] =	vst v54  }
0x3d: {  	v60 =	vadd.f32 v43, v41;
	[tilespmem:$0x610] =	vst v56  }
0x3e: {  	v1 =	vadd.f32 v51, v49;
	[tilespmem:$0x620] =	vst v58  }
0x3f: {  	v62 =	vadd.f32 v55, v53;
	[tilespmem:$0x630] =	vst v60  }
0x40: {  	v61 =	vadd.f32 v47, v45;
	[tilespmem:$0x690] =	vst v1  }
0x41: {  	[tilespmem:$0x6A0] =	vst v62;
	v63 =	vadd.f32 v59, v57  }
0x42: {  	[tilespmem:$0x680] =	vst v61  }
0x43: {  	s4 =	simm.s32 $0x400;
	[tilespmem:$0x6B0] =	vst v63  }
0x44: {  	[hbm4b:s1+s3] =	stream.linear.scatter [tilespmem:s4], [sflag:$0x1], $0x300, $0x38;
	[tilespmem:$0x700] =	vst v63  }
0x45: {  	_ =	swait.ge [sflag:s31], $0x300  }
0x46: {  	[sflag:s31] =	ssyncset.done $0x0  }
0x47: {  	[sflag:s31] =	ssyncadd.s32 $0xFFFFFD00  }
.LBB2_2:
0x48: {  	_ =	sfence.sel $0x180000  }
0x49: {  	[bflag:$0x0] =	sbarrier.arrive $0xFFFF  }
0x4a: {  	_ =	strace $0x90000047  }
0x4b: {  	s0 =	sadd.s32 @!p0 $0x100000, s0;
	[bflag:$0x2] =	sbarrier.arrive $0xFFFF  }
0x4c: {  	[sflag:s0] =	ssyncadd.tile.s32 @!p0 $0x1;
	_ =	shalt  }
.Lfunc_end2:
_tile_overlayer_lowered:
.L_overlay_start_2:
0x4d: {  	(tag) =	ssettag $0x2  }
0x4e: {  	s0 =	rddreg [dreg:$0x0];
	s2 =	stileid.u32  }
0x4f: {  	s1 =	rddreg [dreg:$0x1];
	p0 =	sne.s32 s2, $0x0  }
0x50: {  	s3 =	rddreg [dreg:$0x2];
	[bflag:$0x3] =	sbarrier.arrive $0xFFFF;
	s2 =	simm.s32 @!p0 $0x1C01  }
0x51: {  	[timem:s3], [sflag:s2] =	dma.local @!p0 [hbm:s0], s1  }
0x52: {  	s0 =	simm.s32 @!p0 $0x1  }
0x53: {  	_ =	swait.ge @!p0 [sflag:s0], s1  }
0x54: {  	s1 =	ssub.s32 @!p0 $0x0, s1;
	[sflag:s0] =	ssyncset.done @!p0 $0x0  }
0x55: {  	[sflag:s0] =	ssyncadd.s32 @!p0 s1  }
0x56: {  	[bflag:$0x3] =	sbarrier.arrive $0xFFFF  }
0x57: {  	_ =	shalt  }

</sc_bundles>
